<compile_context>
chip_gen: v7x
topology: tpu7x:2x2x1
jax: 0.10.2.dev20260603
libtpu: 0.0.44.dev20260713+nightly
codegen_flags: <defaults>
</compile_context>

<pallas_src>
import functools

import jax
import jax.numpy as jnp
from jax import lax
from jax.experimental import pallas as pl
from jax.experimental.pallas import tpu as pltpu
from jax.experimental.pallas import tpu_sc as plsc

VOCAB = 1000000
EMBED_DIM = 32
COL_BLOCK = 81920
TV_GRID = 13
TV_PAD = TV_GRID * COL_BLOCK

NUM_CORES = 2
NUM_SUBCORES = 16
NUM_WORKERS = NUM_CORES * NUM_SUBCORES


def _tv_body(tabt_ref, w_ref, b_ref, out_ref):
    acc = jnp.sum(tabt_ref[...] * w_ref[...], axis=0)
    out_ref[...] = jax.nn.sigmoid(acc + b_ref[0, 0])


def _compute_tv(table, W, b):
    tabt = table.T
    b2 = b.reshape(1, 1)
    out = pl.pallas_call(
        _tv_body,
        grid=(TV_GRID,),
        in_specs=[
            pl.BlockSpec((EMBED_DIM, COL_BLOCK), lambda i: (0, i)),
            pl.BlockSpec((EMBED_DIM, 1), lambda i: (0, 0)),
            pl.BlockSpec(memory_space=pltpu.SMEM),
        ],
        out_specs=pl.BlockSpec((COL_BLOCK,), lambda i: (i,)),
        out_shape=jax.ShapeDtypeStruct((TV_PAD,), jnp.float32),
    )(tabt, W, b2)
    return out


def _make_gather(total):
    chunk = total // NUM_WORKERS
    tv_slice = TV_PAD // NUM_SUBCORES
    mesh = plsc.VectorSubcoreMesh(core_axis_name="c", subcore_axis_name="s")

    @functools.partial(
        pl.kernel,
        mesh=mesh,
        out_type=jax.ShapeDtypeStruct((total,), jnp.float32),
        scratch_types=[
            pltpu.VMEM((chunk,), jnp.int32),
            pltpu.VMEM((chunk,), jnp.float32),
            pltpu.VMEM_SHARED((TV_PAD,), jnp.float32),
            pltpu.SemaphoreType.DMA,
        ],
    )
    def gather(tv_hbm, idx_hbm, out_hbm, idx_v, val_v, tv_sh, sem):
        sid = lax.axis_index("s")
        wid = sid * NUM_CORES + lax.axis_index("c")
        base = wid * chunk
        pltpu.sync_copy(idx_hbm.at[pl.ds(base, chunk)], idx_v)
        off = sid * tv_slice
        pltpu.sync_copy(tv_hbm.at[pl.ds(off, tv_slice)],
                        tv_sh.at[pl.ds(off, tv_slice)])
        plsc.subcore_barrier()
        pltpu.async_copy(tv_sh.at[idx_v], val_v, sem).wait()
        pltpu.sync_copy(val_v, out_hbm.at[pl.ds(base, chunk)])

    return gather


def kernel(inputs, table, W, b):
    batch, hist = inputs.shape
    total = batch * hist
    idx = inputs.T.reshape(total).astype(jnp.int32)
    tv = _compute_tv(table, W, b)
    g = _make_gather(total)(tv, idx)
    return g.reshape(hist, batch, 1).transpose(1, 0, 2)

# --- scband reference (transcript-rebuilt; emitter-appended) ---
"""Pipeline reference for scband-nlpmodel-90185723281622 (READ-ONLY COPY).

The authoritative reference and input builder live on the scoring server;
editing this copy changes nothing except your own understanding.
"""

import jax, jax.numpy as jnp
import numpy as np

VOCAB = 1000000
EMBED_DIM = 32
BATCH = 16384
HIST = 50

def setup_inputs(seed: int = 0) -> dict:
    key = jax.random.key(seed)
    k_idx, k_tab, k_w, k_b = jax.random.split(key, 4)
    inputs = jax.random.randint(k_idx, (BATCH, HIST), 0, VOCAB, dtype=jnp.int64)
    table = jax.random.normal(k_tab, (VOCAB, EMBED_DIM), dtype=jnp.float32)
    W = jax.random.normal(k_w, (EMBED_DIM, 1), dtype=jnp.float32) * (1.0 / np.sqrt(EMBED_DIM))
    b = jnp.zeros((1,), dtype=jnp.float32)
    return {"inputs": inputs, "table": table, "W": W, "b": b}

def reference(inputs, table, W, b):
    # nn.Embedding lookup -> gather
    embedded = jnp.take(table, inputs, axis=0)  # [B, L, D]
    # nn.Linear(embedding_dim, 1)
    logits = jnp.dot(embedded, W) + b  # [B, L, 1]
    outputs = jax.nn.sigmoid(logits)
    return outputs

if __name__ == "__main__":
    import jax
    _d = setup_inputs()
    print(jax.jit(kernel)(*tuple(_d.values())))

</pallas_src>

<mosaic_0001>
#map = affine_map<(d0, d1) -> (0)>
module attributes {stable_mosaic.version = 14 : i64} {
  func.func @gather(%arg0: i32, %arg1: i32, %arg2: memref<1064960xf32, #tpu.memory_space<hbm>>, %arg3: memref<819200xi32, #tpu.memory_space<hbm>>, %arg4: memref<819200xf32, #tpu.memory_space<hbm>>, %arg5: memref<25600xi32, #tpu.memory_space<vmem>>, %arg6: memref<25600xf32, #tpu.memory_space<vmem>>, %arg7: memref<1064960xf32, #tpu.memory_space<vmem_shared>>, %arg8: memref<!tpu.dma_semaphore, #tpu.memory_space<semaphore_mem>>) attributes {dimension_semantics = [#tpu.dimension_semantics<core_parallel>, #tpu.dimension_semantics<subcore_parallel>], iteration_bounds = array<i64: 2, 16>, scalar_prefetch = 0 : i64, scratch_operands = 4 : i64, tpu.core_type = #tpu.core_type<sc_vector_subcore>, window_params = [{transform_indices = #map}, {transform_indices = #map}, {transform_indices = #map}]} {
    %mul3A = arith.constant 2 : i32
    %mul3A_0 = arith.muli %arg1, %mul3A : i32
    %add3A = arith.addi %mul3A_0, %arg0 : i32
    %mul3A_1 = arith.constant 25600 : i32
    %mul3A_2 = arith.muli %add3A, %mul3A_1 : i32
    "tpu.region"() ({
      %run_scoped3A = tpu.sem_alloc : memref<!tpu.dma_semaphore, #tpu.memory_space<semaphore_mem>>
      %dma_start3A_7 = tpu.memref_slice %arg3[%mul3A_2] : memref<819200xi32, #tpu.memory_space<hbm>> -> memref<25600xi32, #tpu.memory_space<hbm>>
      %dma_start3A_8 = tpu.memref_slice %arg3[%mul3A_2] : memref<819200xi32, #tpu.memory_space<hbm>> -> memref<25600xi32, #tpu.memory_space<hbm>>
      tpu.enqueue_dma source(%dma_start3A_8 : memref<25600xi32, #tpu.memory_space<hbm>>) target(%arg5 : memref<25600xi32, #tpu.memory_space<vmem>>) target_semaphore(%run_scoped3A : memref<!tpu.dma_semaphore, #tpu.memory_space<semaphore_mem>>)
      %dma_wait3A_9 = tpu.memref_slice %arg3[%mul3A_2] : memref<819200xi32, #tpu.memory_space<hbm>> -> memref<25600xi32, #tpu.memory_space<hbm>>
      %dma_wait3A_10 = tpu.memref_slice %arg3[%mul3A_2] : memref<819200xi32, #tpu.memory_space<hbm>> -> memref<25600xi32, #tpu.memory_space<hbm>>
      tpu.wait_dma2 semaphore(%run_scoped3A : memref<!tpu.dma_semaphore, #tpu.memory_space<semaphore_mem>>) src(%dma_wait3A_10 : memref<25600xi32, #tpu.memory_space<hbm>>) dst(%arg5 : memref<25600xi32, #tpu.memory_space<vmem>>)
      tpu.yield
    }) : () -> ()
    %mul3A_3 = arith.constant 66560 : i32
    %mul3A_4 = arith.muli %arg1, %mul3A_3 : i32
    "tpu.region"() ({
      %run_scoped3A = tpu.sem_alloc : memref<!tpu.dma_semaphore, #tpu.memory_space<semaphore_mem>>
      %dma_start3A_7 = tpu.memref_slice %arg7[%mul3A_4] : memref<1064960xf32, #tpu.memory_space<vmem_shared>> -> memref<66560xf32, #tpu.memory_space<vmem_shared>>
      %dma_start3A_8 = tpu.memref_slice %arg2[%mul3A_4] : memref<1064960xf32, #tpu.memory_space<hbm>> -> memref<66560xf32, #tpu.memory_space<hbm>>
      tpu.enqueue_dma source(%dma_start3A_8 : memref<66560xf32, #tpu.memory_space<hbm>>) target(%dma_start3A_7 : memref<66560xf32, #tpu.memory_space<vmem_shared>>) target_semaphore(%run_scoped3A : memref<!tpu.dma_semaphore, #tpu.memory_space<semaphore_mem>>)
      %dma_wait3A_9 = tpu.memref_slice %arg7[%mul3A_4] : memref<1064960xf32, #tpu.memory_space<vmem_shared>> -> memref<66560xf32, #tpu.memory_space<vmem_shared>>
      %dma_wait3A_10 = tpu.memref_slice %arg2[%mul3A_4] : memref<1064960xf32, #tpu.memory_space<hbm>> -> memref<66560xf32, #tpu.memory_space<hbm>>
      tpu.wait_dma2 semaphore(%run_scoped3A : memref<!tpu.dma_semaphore, #tpu.memory_space<semaphore_mem>>) src(%dma_wait3A_10 : memref<66560xf32, #tpu.memory_space<hbm>>) dst(%dma_wait3A_9 : memref<66560xf32, #tpu.memory_space<vmem_shared>>)
      tpu.yield
    }) : () -> ()
    %barrier3A = arith.constant 0 : index
    tpu.barrier barrier_id(%barrier3A)
    %dma_start3A = arith.constant 0 : i32
    %dma_start3A_5 = tpu.memref_slice %arg7[%dma_start3A] : memref<1064960xf32, #tpu.memory_space<vmem_shared>> -> memref<1064960xf32, #tpu.memory_space<vmem_shared>>
    tpu.enqueue_indirect_dma source(%dma_start3A_5 : memref<1064960xf32, #tpu.memory_space<vmem_shared>>) target(%arg6 : memref<25600xf32, #tpu.memory_space<vmem>>) offsets(%arg5 : memref<25600xi32, #tpu.memory_space<vmem>>) semaphore(%arg8 : memref<!tpu.dma_semaphore, #tpu.memory_space<semaphore_mem>>)
    %dma_wait3A = arith.constant 0 : i32
    %dma_wait3A_6 = tpu.memref_slice %arg7[%dma_wait3A] : memref<1064960xf32, #tpu.memory_space<vmem_shared>> -> memref<1064960xf32, #tpu.memory_space<vmem_shared>>
    tpu.wait_indirect_dma semaphore(%arg8 : memref<!tpu.dma_semaphore, #tpu.memory_space<semaphore_mem>>) src(%dma_wait3A_6 : memref<1064960xf32, #tpu.memory_space<vmem_shared>>) dst(%arg6 : memref<25600xf32, #tpu.memory_space<vmem>>)
    "tpu.region"() ({
      %run_scoped3A = tpu.sem_alloc : memref<!tpu.dma_semaphore, #tpu.memory_space<semaphore_mem>>
      %dma_start3A_7 = tpu.memref_slice %arg4[%mul3A_2] : memref<819200xf32, #tpu.memory_space<hbm>> -> memref<25600xf32, #tpu.memory_space<hbm>>
      %dma_start3A_8 = tpu.memref_slice %arg4[%mul3A_2] : memref<819200xf32, #tpu.memory_space<hbm>> -> memref<25600xf32, #tpu.memory_space<hbm>>
      tpu.enqueue_dma source(%arg6 : memref<25600xf32, #tpu.memory_space<vmem>>) target(%dma_start3A_8 : memref<25600xf32, #tpu.memory_space<hbm>>) target_semaphore(%run_scoped3A : memref<!tpu.dma_semaphore, #tpu.memory_space<semaphore_mem>>)
      %dma_wait3A_9 = tpu.memref_slice %arg4[%mul3A_2] : memref<819200xf32, #tpu.memory_space<hbm>> -> memref<25600xf32, #tpu.memory_space<hbm>>
      %dma_wait3A_10 = tpu.memref_slice %arg4[%mul3A_2] : memref<819200xf32, #tpu.memory_space<hbm>> -> memref<25600xf32, #tpu.memory_space<hbm>>
      tpu.wait_dma2 semaphore(%run_scoped3A : memref<!tpu.dma_semaphore, #tpu.memory_space<semaphore_mem>>) src(%arg6 : memref<25600xf32, #tpu.memory_space<vmem>>) dst(%dma_wait3A_10 : memref<25600xf32, #tpu.memory_space<hbm>>)
      tpu.yield
    }) : () -> ()
    return
  }
}

module attributes {stable_mosaic.version = 14 : i64} {
  func.func @_tv_body(%arg0: i32, %arg1: memref<32x81920xf32, #tpu.memory_space<vmem>>, %arg2: memref<32x1xf32, #tpu.memory_space<vmem>>, %arg3: memref<1x1xf32, #tpu.memory_space<smem>>, %arg4: memref<81920xf32, #tpu.memory_space<vmem>>) attributes {dimension_semantics = [#tpu.dimension_semantics<arbitrary>], iteration_bounds = array<i64: 13>, scalar_prefetch = 0 : i64, scratch_operands = 0 : i64, tpu.core_type = #tpu.core_type<tc>, window_params = [{transform_indices = @transform_0, window_bounds = array<i64: 32, 81920>}, {pipeline_mode = #tpu.pipeline_mode<synchronous>, transform_indices = @transform_1, window_bounds = array<i64: 32, 1>}, {transform_indices = @transform_2, window_bounds = array<i64: 1, 1>}, {transform_indices = @transform_3, window_bounds = array<i64: 81920>}]} {
    %get3A = arith.constant 0 : index
    %get3A_0 = arith.constant 0 : index
    %get3A_1 = vector.load %arg1[%get3A, %get3A_0] : memref<32x81920xf32, #tpu.memory_space<vmem>>, vector<32x81920xf32>
    %get3A_2 = arith.constant 0 : index
    %get3A_3 = arith.constant 0 : index
    %get3A_4 = vector.load %arg2[%get3A_2, %get3A_3] : memref<32x1xf32, #tpu.memory_space<vmem>>, vector<32x1xf32>
    %mul3A = vector.broadcast %get3A_4 : vector<32x1xf32> to vector<32x81920xf32>
    %mul3A_5 = arith.mulf %get3A_1, %mul3A : vector<32x81920xf32>
    %reduce_sum3A = arith.constant dense<0.000000e+00> : vector<81920xf32>
    %reduce_sum3A_6 = vector.multi_reduction <add>, %mul3A_5, %reduce_sum3A [0] : vector<32x81920xf32> to vector<81920xf32>
    %get3A_7 = arith.constant 0 : index
    %get3A_8 = arith.constant 0 : index
    %get3A_9 = memref.load %arg3[%get3A_7, %get3A_8] : memref<1x1xf32, #tpu.memory_space<smem>>
    %add3A = vector.broadcast %get3A_9 : f32 to vector<81920xf32>
    %add3A_10 = arith.addf %reduce_sum3A_6, %add3A : vector<81920xf32>
    %logistic3A = arith.negf %add3A_10 : vector<81920xf32>
    %logistic3A_11 = math.exp %logistic3A : vector<81920xf32>
    %logistic3A_12 = arith.constant 1.000000e+00 : f32
    %logistic3A_13 = vector.broadcast %logistic3A_12 : f32 to vector<81920xf32>
    %logistic3A_14 = arith.addf %logistic3A_13, %logistic3A_11 : vector<81920xf32>
    %logistic3A_15 = arith.divf %logistic3A_13, %logistic3A_14 : vector<81920xf32>
    %swap3A = arith.constant 0 : index
    %swap3A_16 = vector.load %arg4[%swap3A] : memref<81920xf32, #tpu.memory_space<vmem>>, vector<81920xf32>
    tpu.vector_store %arg4[%swap3A], %logistic3A_15 {strides = array<i32>} : memref<81920xf32, #tpu.memory_space<vmem>>, vector<81920xf32>,
    return
  }
  func.func @transform_0(%arg0: i32) -> (i32, i32) {
    %c0_i32 = arith.constant 0 : i32
    %c0_i32_0 = arith.constant 0 : i32
    return %c0_i32, %arg0 : i32, i32
  }
  func.func @transform_1(%arg0: i32) -> (i32, i32) {
    %c0_i32 = arith.constant 0 : i32
    %c0_i32_0 = arith.constant 0 : i32
    %c0_i32_1 = arith.constant 0 : i32
    return %c0_i32, %c0_i32_0 : i32, i32
  }
  func.func @transform_2(%arg0: i32) -> (i32, i32) {
    %c0_i32 = arith.constant 0 : i32
    %c0_i32_0 = arith.constant 0 : i32
    %c0_i32_1 = arith.constant 0 : i32
    return %c0_i32, %c0_i32_0 : i32, i32
  }
  func.func @transform_3(%arg0: i32) -> i32 {
    %c0_i32 = arith.constant 0 : i32
    return %arg0 : i32
  }
}

</mosaic_0001>

<sc_bundles>
// kernel: kernel.4.cloned.1.call-start
scs
__scs_entry_jumppad:
0x0: {  	(pc) =	sbr.rel $0x88, $3  }
0x1: {  	(tag) =	ssettag $0x0;
	lr =	simm.s32 $0x1  }
0x2: {  	[smem:$0x3F9D] =	sst lr;
	_ =	strace $0xD0000000  }
0x3: {  	_ = 	snop  }
0x4: {  	_ = 	snop  }
0x5: {  	_ = 	snop  }
0x6: {  	_ = 	snop  }
0x7: {  	_ = 	snop  }
__scs_overlays_trampoline_lowered:
0x8: {  	[smem:$0x3FAC] =	sst s0  }
0x9: {  	[smem:$0x3FAD] =	sst s1  }
0xa: {  	[smem:$0x3FAE] =	sst s2  }
0xb: {  	[smem:$0x3FAF] =	sst s3  }
0xc: {  	[smem:$0x3FB0] =	sst s4  }
0xd: {  	[smem:$0x3FB1] =	sst s5  }
0xe: {  	[smem:$0x3FB2] =	sst s6  }
0xf: {  	[smem:$0x3FB3] =	sst s7  }
0x10: {  	[smem:$0x3FB4] =	sst s8  }
0x11: {  	[smem:$0x3FB5] =	sst s9;
	s0 =	simm.s32 @!p0 $0x0  }
0x12: {  	s1 =	sld [smem:$0x3F9B];
	s0 =	simm.s32 @p0 $0x1  }
0x13: {  	[smem:$0x3FB6] =	sst s0;
	s0 =	simm.s32 @!p1 $0x0  }
0x14: {  	s2 =	sld [smem:$0x3F9A];
	s0 =	simm.s32 @p1 $0x1  }
0x15: {  	[smem:$0x3FB7] =	sst s0;
	s0 =	simm.s32 @!p2 $0x0  }
0x16: {  	s3 =	sld [smem:$0x3FDB];
	s0 =	simm.s32 @p2 $0x1  }
0x17: {  	s4 =	simm.s32 $0x1BF5;
	[smem:$0x3FB9] =	sst s0  }
0x18: {  	s0 =	sld [smem:$0x3F9C];
	_ =	swait.ge [sflag:s4], $0x0  }
0x19: {  	s7 =	sld [smem:$0x3F9D]  }
0x1a: {  	s8 =	sadd.s32 $0xFFFFE003, lr  }
0x1b: {  	s9 =	sadd.s32 $0xFFFFFEF7, lr;
	s5 =	simm.s32 $0xFFFFFFFF;
	p2 =	slt.u32 s8, $0xFFFFF086  }
0x1c: {  	p1 =	slt.u32 s9, $0xF7A;
	s5 =	simm.s32 @!p2 $0x0  }
0x1d: {  	s5 =	simm.s32 @p1 $0x1;
	p0 =	seq.s32 s7, s2  }
0x1e: {  	s7 =	smul.u32 @!p0 $0xF7A, s2;
	p2 =	seq.s32 @!p0 s5, $0x0  }
0x1f: {  	s9 =	smul.u32 $0xF7A, s1;
	s8 =	simm.s32 @!p0 $0x1BF5;
	p2 =	por !p2, p0  }
0x20: {  	[sflag:s8] =	ssyncset.s32 @!p0 $0xFFFFF086;
	s6 =	sadd.s32 @!p0 s3, s7;
	s7 =	simm.s32 @!p0 $0x108  }
0x21: {  	s3 =	sadd.s32 s3, s9;
	s6 =	sadd.s32 @!p0 $0x88, s6;
	s7 =	simm.s32 @p2 $0x1082  }
0x22: {  	[simem:s7], [sflag:s8] =	dma.local @!p0 [hbm:s6], $0xF7A  }
0x23: {  	s9 =	sor.u32 $0xD0000000, s2;
	s6 =	simm.s32 $0x108;
	_ =	swait.ge @!p0 [sflag:s8], $0x0  }
0x24: {  	s3 =	sadd.s32 $0x88, s3;
	s6 =	simm.s32 @!p1 $0x1082;
	[sflag:s4] =	ssyncset.s32 $0xFFFFF086  }
0x25: {  	[simem:s6], [sflag:s4] =	dma.local [hbm:s3], $0xF7A  }
0x26: {  	[smem:$0x3F9D] =	sst s1;
	(tag) =	ssettag s2;
	_ =	strace s9  }
0x27: {  	s1 =	sld [smem:$0x3FAD]  }
0x28: {  	s2 =	sld [smem:$0x3FAE]  }
0x29: {  	s4 =	sld [smem:$0x3FB0]  }
0x2a: {  	p0 =	seq.s32 s5, $0x0;
	s5 =	sld [smem:$0x3FB1]  }
0x2b: {  	s6 =	sld [smem:$0x3FB2]  }
0x2c: {  	s7 =	sld [smem:$0x3FB3]  }
0x2d: {  	s3 =	simm.s32 $0x108;
	s8 =	sld [smem:$0x3FB4]  }
0x2e: {  	s3 =	simm.s32 @!p0 $0x1082;
	s9 =	sld [smem:$0x3FB5]  }
0x2f: {  	lr =	sadd.s32 s0, s3;
	s0 =	sld [smem:$0x3FAC]  }
0x30: {  	s3 =	sld [smem:$0x3FAF]  }
0x31: {  	[smem:$0x3FB8] =	sst s10  }
0x32: {  	s10 =	sld [smem:$0x3FB6];
	_ =	sdelay $0x3  }
0x33: {  	p0 =	seq.s32 s10, $0x1;
	s10 =	sld [smem:$0x3FB8];
	_ =	sdelay $0x3  }
0x34: {  	[smem:$0x3FB8] =	sst s10  }
0x35: {  	s10 =	sld [smem:$0x3FB7];
	_ =	sdelay $0x3  }
0x36: {  	p1 =	seq.s32 s10, $0x1;
	s10 =	sld [smem:$0x3FB8];
	_ =	sdelay $0x3  }
0x37: {  	[smem:$0x3FB8] =	sst s10  }
0x38: {  	s10 =	sld [smem:$0x3FB9]  }
0x39: {  	_ = 	snop;
	(pc) =	sbr.ind lr, $3  }
0x3a: {  	_ = 	snop  }
0x3b: {  	_ = 	snop  }
0x3c: {  	p2 =	seq.s32 s10, $0x1;
	s10 =	sld [smem:$0x3FB8]  }
0x3d: {  	_ =	shalt  }
0x3e: {  	_ =	shalt  }
0x3f: {  	_ =	shalt  }
0x40: {  	_ =	shalt  }
0x41: {  	_ =	shalt  }
0x42: {  	_ =	shalt  }
0x43: {  	_ =	shalt  }
0x44: {  	_ =	shalt  }
0x45: {  	_ =	shalt  }
0x46: {  	_ =	shalt  }
0x47: {  	_ =	shalt  }
0x48: {  	_ =	shalt  }
0x49: {  	_ =	shalt  }
0x4a: {  	_ =	shalt  }
0x4b: {  	_ =	shalt  }
0x4c: {  	_ =	shalt  }
0x4d: {  	_ =	shalt  }
0x4e: {  	_ =	shalt  }
0x4f: {  	_ =	shalt  }
0x50: {  	_ =	shalt  }
0x51: {  	_ =	shalt  }
0x52: {  	_ =	shalt  }
0x53: {  	_ =	shalt  }
0x54: {  	_ =	shalt  }
0x55: {  	_ =	shalt  }
0x56: {  	_ =	shalt  }
0x57: {  	_ =	shalt  }
0x58: {  	_ =	shalt  }
0x59: {  	_ =	shalt  }
0x5a: {  	_ =	shalt  }
0x5b: {  	_ =	shalt  }
0x5c: {  	_ =	shalt  }
0x5d: {  	_ =	shalt  }
0x5e: {  	_ =	shalt  }
0x5f: {  	_ =	shalt  }
0x60: {  	_ =	shalt  }
0x61: {  	_ =	shalt  }
0x62: {  	_ =	shalt  }
0x63: {  	_ =	shalt  }
0x64: {  	_ =	shalt  }
0x65: {  	_ =	shalt  }
0x66: {  	_ =	shalt  }
0x67: {  	_ =	shalt  }
0x68: {  	_ =	shalt  }
0x69: {  	_ =	shalt  }
0x6a: {  	_ =	shalt  }
0x6b: {  	_ =	shalt  }
0x6c: {  	_ =	shalt  }
0x6d: {  	_ =	shalt  }
0x6e: {  	_ =	shalt  }
0x6f: {  	_ =	shalt  }
0x70: {  	_ =	shalt  }
0x71: {  	_ =	shalt  }
0x72: {  	_ =	shalt  }
0x73: {  	_ =	shalt  }
0x74: {  	_ =	shalt  }
0x75: {  	_ =	shalt  }
0x76: {  	_ =	shalt  }
0x77: {  	_ =	shalt  }
0x78: {  	_ =	shalt  }
0x79: {  	_ =	shalt  }
0x7a: {  	_ =	shalt  }
0x7b: {  	_ =	shalt  }
0x7c: {  	_ =	shalt  }
0x7d: {  	_ =	shalt  }
0x7e: {  	_ =	shalt  }
0x7f: {  	_ =	shalt  }
0x80: {  	_ =	shalt  }
0x81: {  	_ =	shalt  }
0x82: {  	_ =	shalt  }
0x83: {  	_ =	shalt  }
0x84: {  	_ =	shalt  }
0x85: {  	_ =	shalt  }
0x86: {  	_ =	shalt  }
0x87: {  	_ =	shalt  }
.Lfunc_end0:
.L_simem_size_0:
called_computation_lowered:
.L_overlay_start_0:
0x88: {  	s2 =	sld [smem:$0x3FD9]  }
0x89: {  	s3 =	sld [smem:$0x3FFE];
	_ =	sdelay $0x1  }
0x8a: {  	s1 =	srdreg.scid  }
0x8b: {  	s0 =	sand.u32 $0x1, s1  }
0x8c: {  	s17 =	sshll.u32 s0, $0xA;
	s2 =	sadd.s32 s3, s2  }
0x8d: {  	s2 =	sadd.s32 s2, s17  }
0x8e: {  	[smem:$0x3FC4] =	sst s2  }
0x8f: {  	_ = 	snop  }
0x90: {  	s2 =	sld [smem:$0x3FD0];
	(tm) =	ssettm $0x1  }
0x91: {  	s18 =	sld [smem:$0x3FFB];
	_ =	sdelay $0x3  }
0x92: {  	_ =	strace s18  }
0x93: {  	s3 =	sld [smem:$0x3FFC];
	_ =	sdelay $0x3  }
0x94: {  	_ =	strace s3  }
0x95: {  	s3 =	sld [smem:$0x3FFD];
	_ =	sdelay $0x3  }
0x96: {  	_ =	strace s3  }
0x97: {  	_ =	strace $0x8FFFFFFF  }
0x98: {  	s19 =	sld [smem:$0x3FDB];
	_ =	sdelay $0x1  }
0x99: {  	s4 =	simm.s32 $_scs_section_size  }
0x9a: {  	s5 =	simm.s32 $_size__tile_overlayer_lowered;
	s6 =	simm.s32 $_tile_overlayer_lowered  }
0x9b: {  	s22 =	simm.s32 $0x1BFF;
	s21 =	sshll.u32 s6, $0x1;
	s3 =	sadd.s32 s4, s19  }
0x9c: {  	s7 =	simm.s32 $0x0;
	s20 =	sshll.u32 s5, $0x1;
	s5 =	sadd.s32 s21, s3  }
0x9d: {  	[timem:s7], [sflag:s22] =	dma.local [hbm:s5], s20  }
0x9e: {  	_ =	swait.ge [sflag:s22], s20  }
0x9f: {  	s4 =	ssub.s32 $0x0, s20;
	[sflag:s22] =	ssyncset.done $0x0  }
0xa0: {  	[sflag:s22] =	ssyncadd.s32 s4;
	_ =	sdelay $0x1  }
0xa1: {  	s23 =	simm.s32 $0x1B8B  }
0xa2: {  	_ =	swait.ge [sflag:s23], $0x1  }
0xa3: {  	[sflag:s23] =	ssyncset.done $0x0  }
0xa4: {  	s25 =	simm.s32 $0x1B8E;
	s24 =	sld [smem:$0x3FFE];
	[sflag:s23] =	ssyncadd.s32 $0xFFFFFFFF  }
0xa5: {  	s26 =	simm.s32 $execute0_lowered;
	[smem:$0x3FD2] =	sst s25  }
0xa6: {  	s5 =	sshll.u32 s26, $0x1;
	_ =	strace $0x80000046;
	[dreg:$0x1] =	wrdreg $0xFFFFFFFF  }
0xa7: {  	s28 =	simm.s32 $_size_execute0_lowered;
	s3 =	sadd.s32 s3, s5;
	[dreg:$0x0] =	wrdreg $0x0  }
0xa8: {  	s5 =	sshll.u32 s28, $0x1;
	[dreg:$0x2] =	wrdreg s3  }
0xa9: {  	[dreg:$0x3] =	wrdreg s5  }
0xaa: {  	[dreg:$0x4] =	wrdreg $0xC0  }
0xab: {  	_ =	task [dreg:s7], $0x5FFFF  }
0xac: {  	[dreg:$0x1] =	wrdreg $0xFFFFFFFF  }
0xad: {  	[dreg:$0x0] =	wrdreg $0x60  }
0xae: {  	[dreg:$0x2] =	wrdreg s24  }
0xaf: {  	[dreg:$0x3] =	wrdreg s2  }
0xb0: {  	[dreg:$0x4] =	wrdreg $0xC8000  }
0xb1: {  	[dreg:$0x5] =	wrdreg $0x9  }
0xb2: {  	_ =	task.clear_ibuf [dreg:s7], $0x6FFFF;
	_ =	strace $0x90000046  }
0xb3: {  	s29 =	simm.s32 $0x9;
	_ =	strace $0x80000048  }
0xb4: {  	_ =	swait.ge [sflag:s29], $0x1  }
0xb5: {  	[sflag:s29] =	ssyncadd.s32 $0xFFFFFFFF  }
0xb6: {  	_ =	strace $0x90000048  }
0xb7: {  	_ =	sfence  }
0xb8: {  	s30 =	sld [smem:$0x0];
	_ =	sdelay $0x2  }
0xb9: {  	s31 =	sshll.u32 s1, $0xD;
	s1 =	sshrl.u32 s1, $0x2  }
0xba: {  	s3 =	sand.u32 $0x4000, s31;
	s1 =	sadd.s32 s1, s30  }
0xbb: {  	s0 =	sor.u32 s3, s0;
	s1 =	sshll.u32 s1, $0x11  }
0xbc: {  	s0 =	sor.u32 s1, s0  }
0xbd: {  	s0 =	sadd.s32 $0x8F2B, s0  }
0xbe: {  	[sflag:s0] =	ssyncadd.remote.s32 $0x1  }
0xbf: {  	_ =	sfence.sel $0xFFFF  }
0xc0: {  	[dreg:$0x0] =	wrdreg $0xFFFFFFFF;
	(pc) =	sbr.abs _section_cstart, $3  }
0xc1: {  	[dreg:$0x1] =	wrdreg $0xFFFFFFFF  }
0xc2: {  	_ =	task.clear_ibuf [dreg:s7], $0x2FFFF;
	_ =	strace $0x9FFFFFFF  }
0xc3: {  	(tm) =	ssettm $0x7FFFFFFF  }
tec
execute0_lowered:
.L_overlay_start_1:
0x0: {  	(tag) =	ssettag $0x1  }
0x1: {  	s6 =	rddreg [dreg:$0x0]  }
0x2: {  	s0 =	stileid.u32;
	s1 =	srdreg.scid  }
0x3: {  	s11 =	rddreg [dreg:$0x1];
	s9 =	sand.u32 $0x1, s1;
	s28 =	sshll.u32 s0, $0x1  }
0x4: {  	s2 =	rddreg [dreg:$0x2];
	s4 =	sor.u32 s9, s28  }
0x5: {  	s3 =	simm.s32 $0x0;
	s1 =	rddreg [dreg:$0x3];
	s12 =	smul.u32 $0xC80, s4  }
0x6: {  	[smem:$0x7FF] =	sst s3  }
0x7: {  	s7 =	smul.u32 $0x10400, s0;
	s30 =	sshll.u32 s0, $0x6;
	s4 =	sadd.s32 s12, s6  }
0x8: {  	_ =	strace $0x80000047;
	s5 =	sadd.s32 $0x600, s4;
	s4 =	simm.s32 $0x2  }
0x9: {  	[tilespmem:s3], [sflag:$0x2] =	stream.linear.gather [hbm4b:s5+s3], $0x6400, $0x38;
	[tilespmem:$0x1CC00] =	vst v63  }
0xa: {  	s8 =	sshrl.u32 s7, $0x3;
	s29 =	sadd.s32 s7, s2;
	_ =	swait.ge [sflag:s4], $0x6400  }
0xb: {  	s7 =	sor.u32 $0x1C02, s30;
	s6 =	sadd.s32 s8, s6;
	[sflag:s4] =	ssyncset.done $0x0  }
0xc: {  	s8 =	sshrl.u32 s29, $0x3;
	s6 =	sadd.s32 $0x19600, s6;
	[sflag:s4] =	ssyncadd.s32 $0xFFFF9C00  }
0xd: {  	[spmem:s8], [sflag:s7] =	dma.local [hbm:s6], $0x2080  }
0xe: {  	s13 =	ssub.s32 $0x2, s9;
	_ =	swait.ge [sflag:s4], $0x2080  }
0xf: {  	s14 =	sshrl.u32 s13, $0x1;
	[sflag:s4] =	ssyncset.done $0x0  }
0x10: {  	s10 =	simm.s32 $0x1;
	s13 =	ssub.s32 s13, s14;
	[sflag:s4] =	ssyncadd.s32 $0xFFFFDF80  }
0x11: {  	s9 =	simm.s32 $0x6400;
	s31 =	smax.u32 s13, $0x1;
	[bflag:$0x0] =	sbarrier.arrive $0xFFFF  }
0x12: {  	[tilespmem:s9], [sflag:$0x1] =	stream.indirect.gather [spmem:s2], $0x1, s3, s9, $0xb8;
	[tilespmem:$0x1CC00] =	vst v63  }
0x13: {  	p0 =	sne.s32 s31, $0x1;
	_ =	swait.ge [sflag:s10], $0x6400  }
.Ltmp0:
0x14: {  	[sflag:s10] =	ssyncset.done $0x0;
	(pc) =	sbr.rel @!p0 .LBB2_2-.Ltmp0, $4  }
0x15: {  	s11 =	sadd.s32 s11, s12;
	[sflag:s10] =	ssyncadd.s32 $0xFFFF9C00  }
0x16: {  	[hbm4b:s11+s3] =	stream.linear.scatter [tilespmem:s9], [sflag:$0x2], $0x6400, $0x38;
	[tilespmem:$0x1CC00] =	vst v63  }
0x17: {  	_ =	swait.ge [sflag:s4], $0x6400  }
0x18: {  	s12 =	sadd.s32 $0xFFFFFFFF, s31;
	[sflag:s4] =	ssyncset.done $0x0  }
.LBB2_1:
0x19: {  	p0 =	sne.s32 s12, $0x1;
	s12 =	sadd.s32 $0xFFFFFFFF, s12;
	[sflag:s4] =	ssyncadd.s32 $0xFFFF9C00  }
0x1a: {  	[tilespmem:s3], [sflag:$0x2] =	stream.linear.gather [hbm4b:s5+s3], $0x6400, $0x38;
	[tilespmem:$0x1CC00] =	vst v63  }
0x1b: {  	_ =	swait.ge [sflag:s4], $0x6400  }
0x1c: {  	[sflag:s4] =	ssyncset.done $0x0  }
0x1d: {  	[sflag:s4] =	ssyncadd.s32 $0xFFFF9C00  }
0x1e: {  	[spmem:s8], [sflag:s7] =	dma.local [hbm:s6], $0x2080  }
0x1f: {  	_ =	swait.ge [sflag:s4], $0x2080  }
0x20: {  	[sflag:s4] =	ssyncset.done $0x0  }
0x21: {  	[sflag:s4] =	ssyncadd.s32 $0xFFFFDF80  }
0x22: {  	[bflag:$0x0] =	sbarrier.arrive $0xFFFF  }
0x23: {  	[tilespmem:s9], [sflag:$0x1] =	stream.indirect.gather [spmem:s2], $0x1, s3, s9, $0xb8;
	[tilespmem:$0x1CC00] =	vst v63  }
0x24: {  	_ =	swait.ge [sflag:s10], $0x6400  }
.Ltmp1:
0x25: {  	[sflag:s10] =	ssyncset.done $0x0;
	(pc) =	sbr.rel @p0 .LBB2_1-.Ltmp1, $4  }
0x26: {  	[sflag:s10] =	ssyncadd.s32 $0xFFFF9C00  }
0x27: {  	[hbm4b:s11+s3] =	stream.linear.scatter [tilespmem:s9], [sflag:$0x2], $0x6400, $0x38;
	[tilespmem:$0x1CC00] =	vst v63  }
0x28: {  	_ =	swait.ge [sflag:s4], $0x6400  }
0x29: {  	[sflag:s4] =	ssyncset.done $0x0  }
.LBB2_2:
0x2a: {  	[sflag:s4] =	ssyncadd.s32 $0xFFFF9C00  }
0x2b: {  	_ =	sfence.sel $0x180000  }
0x2c: {  	[bflag:$0x0] =	sbarrier.arrive $0xFFFF  }
0x2d: {  	p0 =	sne.s32 s0, $0x0;
	_ =	strace $0x90000047  }
0x2e: {  	s0 =	sadd.s32 @!p0 $0x100000, s1;
	[bflag:$0x2] =	sbarrier.arrive $0xFFFF  }
0x2f: {  	[sflag:s0] =	ssyncadd.tile.s32 @!p0 $0x1;
	_ =	shalt  }
.Lfunc_end2:
_tile_overlayer_lowered:
.L_overlay_start_2:
0x30: {  	(tag) =	ssettag $0x2  }
0x31: {  	s0 =	rddreg [dreg:$0x0];
	s2 =	stileid.u32  }
0x32: {  	s1 =	rddreg [dreg:$0x1];
	p0 =	sne.s32 s2, $0x0  }
0x33: {  	s3 =	rddreg [dreg:$0x2];
	[bflag:$0x3] =	sbarrier.arrive $0xFFFF;
	s2 =	simm.s32 @!p0 $0x1C02  }
0x34: {  	[timem:s3], [sflag:s2] =	dma.local @!p0 [hbm:s0], s1  }
0x35: {  	s0 =	simm.s32 @!p0 $0x2  }
0x36: {  	_ =	swait.ge @!p0 [sflag:s0], s1  }
0x37: {  	s1 =	ssub.s32 @!p0 $0x0, s1;
	[sflag:s0] =	ssyncset.done @!p0 $0x0  }
0x38: {  	[sflag:s0] =	ssyncadd.s32 @!p0 s1  }
0x39: {  	[bflag:$0x3] =	sbarrier.arrive $0xFFFF  }
0x3a: {  	_ =	shalt  }

</sc_bundles>
